<compile_context>
chip_gen: v7x
topology: tpu7x:2x2x1
jax: 0.10.2.dev20260603
libtpu: 0.0.44.dev20260713+nightly
codegen_flags: <defaults>
</compile_context>

<pallas_src>
import functools

import jax
import jax.numpy as jnp
from jax import lax
from jax.experimental import pallas as pl
from jax.experimental.pallas import tpu as pltpu
from jax.experimental.pallas import tpu_sc as plsc

NC = 2
NS = 16
NW = NC * NS
CHUNK = 128
NBUF = 5


def _make_gather(V, D, B):
    assert B % (NW * CHUNK) == 0
    bpw = B // NW
    nch = bpw // CHUNK
    assert nch % NBUF == 0
    mesh = plsc.VectorSubcoreMesh(
        core_axis_name="c", subcore_axis_name="s",
        num_cores=NC, num_subcores=NS)

    @functools.partial(
        pl.kernel,
        out_type=jax.ShapeDtypeStruct((B, D), jnp.float32),
        mesh=mesh,
        scratch_types=[
            pltpu.VMEM((nch, CHUNK), jnp.int32),
            [pltpu.VMEM((CHUNK, D), jnp.float32)] * NBUF,
            [pltpu.SemaphoreType.DMA] * NBUF,
            [pltpu.SemaphoreType.DMA] * NBUF,
        ],
    )
    def gather_kernel(table_hbm, idx_hbm, out_hbm, idx_v, bufs, gsems, ssems):
        wid = lax.axis_index("s") * NC + lax.axis_index("c")
        base = wid * bpw
        pltpu.sync_copy(idx_hbm.at[wid], idx_v)

        def out_slice(j):
            return out_hbm.at[pl.ds(base + j * CHUNK, CHUNK)]

        for b in range(NBUF):
            pltpu.async_copy(table_hbm.at[idx_v.at[b]], bufs[b], gsems[b])

        @pl.loop(0, nch // NBUF)
        def _(g):
            j0 = g * NBUF
            for b in range(NBUF):
                pltpu.make_async_copy(
                    table_hbm.at[idx_v.at[j0 + b]], bufs[b], gsems[b]).wait()
                pltpu.async_copy(bufs[b], out_slice(j0 + b), ssems[b])
            for b in range(NBUF):
                @pl.when(j0 + b + NBUF < nch)
                def _():
                    pltpu.make_async_copy(
                        bufs[b], out_slice(j0 + b), ssems[b]).wait()
                    pltpu.async_copy(
                        table_hbm.at[idx_v.at[j0 + b + NBUF]],
                        bufs[b], gsems[b])

        for b in range(NBUF):
            pltpu.make_async_copy(
                bufs[b], out_slice(nch - NBUF + b), ssems[b]).wait()

    return gather_kernel


def kernel(x, table):
    V, D = table.shape
    S, T = x.shape
    B = x.size
    idx = x.T.reshape(NW, B // (NW * CHUNK), CHUNK).astype(jnp.int32)
    out = _make_gather(V, D, B)(table, idx)
    return out.reshape(T, S, D).transpose(1, 0, 2)

# --- scband reference (transcript-rebuilt; emitter-appended) ---
"""Pipeline reference for scband-embedding-table-37933151158332 (READ-ONLY COPY).

The authoritative reference and input builder live on the scoring server;
editing this copy changes nothing except your own understanding.
"""

import jax, jax.numpy as jnp
import numpy as np

VOCAB = 100000
D_MODEL = 128

def setup_inputs(seed: int = 0) -> dict:
    key = jax.random.key(seed)
    k_idx, k_tab = jax.random.split(key)
    x = jax.random.randint(k_idx, (4096, 50), 0, VOCAB, dtype=jnp.int64 if jax.config.jax_enable_x64 else jnp.int32)
    table = jax.random.normal(k_tab, (VOCAB, D_MODEL), dtype=jnp.float32)
    return {"x": x, "table": table}

def reference(x, table):
    # nn.Embedding forward: row gather from the embedding table
    return jnp.take(table, x, axis=0)

if __name__ == "__main__":
    import jax
    _d = setup_inputs()
    print(jax.jit(kernel)(*tuple(_d.values())))

</pallas_src>

<mosaic_0001>
#map = affine_map<(d0, d1) -> (0, 0)>
#map1 = affine_map<(d0, d1) -> (0, 0, 0)>
module attributes {stable_mosaic.version = 14 : i64} {
  func.func @gather_kernel(%arg0: i32, %arg1: i32, %arg2: memref<100000x128xf32, #tpu.memory_space<hbm>>, %arg3: memref<32x50x128xi32, #tpu.memory_space<hbm>>, %arg4: memref<204800x128xf32, #tpu.memory_space<hbm>>, %arg5: memref<50x128xi32, #tpu.memory_space<vmem>>, %arg6: memref<128x128xf32, #tpu.memory_space<vmem>>, %arg7: memref<128x128xf32, #tpu.memory_space<vmem>>, %arg8: memref<128x128xf32, #tpu.memory_space<vmem>>, %arg9: memref<128x128xf32, #tpu.memory_space<vmem>>, %arg10: memref<128x128xf32, #tpu.memory_space<vmem>>, %arg11: memref<!tpu.dma_semaphore, #tpu.memory_space<semaphore_mem>>, %arg12: memref<!tpu.dma_semaphore, #tpu.memory_space<semaphore_mem>>, %arg13: memref<!tpu.dma_semaphore, #tpu.memory_space<semaphore_mem>>, %arg14: memref<!tpu.dma_semaphore, #tpu.memory_space<semaphore_mem>>, %arg15: memref<!tpu.dma_semaphore, #tpu.memory_space<semaphore_mem>>, %arg16: memref<!tpu.dma_semaphore, #tpu.memory_space<semaphore_mem>>, %arg17: memref<!tpu.dma_semaphore, #tpu.memory_space<semaphore_mem>>, %arg18: memref<!tpu.dma_semaphore, #tpu.memory_space<semaphore_mem>>, %arg19: memref<!tpu.dma_semaphore, #tpu.memory_space<semaphore_mem>>, %arg20: memref<!tpu.dma_semaphore, #tpu.memory_space<semaphore_mem>>) attributes {dimension_semantics = [#tpu.dimension_semantics<core_parallel>, #tpu.dimension_semantics<subcore_parallel>], iteration_bounds = array<i64: 2, 16>, scalar_prefetch = 0 : i64, scratch_operands = 16 : i64, tpu.core_type = #tpu.core_type<sc_vector_subcore>, window_params = [{transform_indices = #map}, {transform_indices = #map1}, {transform_indices = #map}]} {
    %mul3A = arith.constant 2 : i32
    %mul3A_0 = arith.muli %arg1, %mul3A : i32
    %add3A = arith.addi %mul3A_0, %arg0 : i32
    %mul3A_1 = arith.constant 6400 : i32
    %mul3A_2 = arith.muli %add3A, %mul3A_1 : i32
    "tpu.region"() ({
      %run_scoped3A = tpu.sem_alloc : memref<!tpu.dma_semaphore, #tpu.memory_space<semaphore_mem>>
      %dma_start3A_70 = arith.constant 0 : i32
      %dma_start3A_71 = arith.constant 0 : i32
      %dma_start3A_72 = tpu.memref_slice %arg3[%add3A, %dma_start3A_70, %dma_start3A_71] : memref<32x50x128xi32, #tpu.memory_space<hbm>> -> memref<1x50x128xi32, #tpu.memory_space<hbm>>
      %dma_start3A_73 = tpu.memref_squeeze %dma_start3A_72 : memref<1x50x128xi32, #tpu.memory_space<hbm>> -> memref<50x128xi32, #tpu.memory_space<hbm>>
      %dma_start3A_74 = arith.constant 0 : i32
      %dma_start3A_75 = arith.constant 0 : i32
      %dma_start3A_76 = tpu.memref_slice %arg3[%add3A, %dma_start3A_74, %dma_start3A_75] : memref<32x50x128xi32, #tpu.memory_space<hbm>> -> memref<1x50x128xi32, #tpu.memory_space<hbm>>
      %dma_start3A_77 = tpu.memref_squeeze %dma_start3A_76 : memref<1x50x128xi32, #tpu.memory_space<hbm>> -> memref<50x128xi32, #tpu.memory_space<hbm>>
      tpu.enqueue_dma source(%dma_start3A_77 : memref<50x128xi32, #tpu.memory_space<hbm>>) target(%arg5 : memref<50x128xi32, #tpu.memory_space<vmem>>) target_semaphore(%run_scoped3A : memref<!tpu.dma_semaphore, #tpu.memory_space<semaphore_mem>>)
      %dma_wait3A_78 = arith.constant 0 : i32
      %dma_wait3A_79 = arith.constant 0 : i32
      %dma_wait3A_80 = tpu.memref_slice %arg3[%add3A, %dma_wait3A_78, %dma_wait3A_79] : memref<32x50x128xi32, #tpu.memory_space<hbm>> -> memref<1x50x128xi32, #tpu.memory_space<hbm>>
      %dma_wait3A_81 = tpu.memref_squeeze %dma_wait3A_80 : memref<1x50x128xi32, #tpu.memory_space<hbm>> -> memref<50x128xi32, #tpu.memory_space<hbm>>
      %dma_wait3A_82 = arith.constant 0 : i32
      %dma_wait3A_83 = arith.constant 0 : i32
      %dma_wait3A_84 = tpu.memref_slice %arg3[%add3A, %dma_wait3A_82, %dma_wait3A_83] : memref<32x50x128xi32, #tpu.memory_space<hbm>> -> memref<1x50x128xi32, #tpu.memory_space<hbm>>
      %dma_wait3A_85 = tpu.memref_squeeze %dma_wait3A_84 : memref<1x50x128xi32, #tpu.memory_space<hbm>> -> memref<50x128xi32, #tpu.memory_space<hbm>>
      tpu.wait_dma2 semaphore(%run_scoped3A : memref<!tpu.dma_semaphore, #tpu.memory_space<semaphore_mem>>) src(%dma_wait3A_85 : memref<50x128xi32, #tpu.memory_space<hbm>>) dst(%arg5 : memref<50x128xi32, #tpu.memory_space<vmem>>)
      tpu.yield
    }) : () -> ()
    %dma_start3A = arith.constant 0 : i32
    %dma_start3A_3 = arith.constant 0 : i32
    %dma_start3A_4 = tpu.memref_slice %arg5[%dma_start3A, %dma_start3A_3] : memref<50x128xi32, #tpu.memory_space<vmem>> -> memref<1x128xi32, #tpu.memory_space<vmem>>
    %dma_start3A_5 = tpu.memref_squeeze %dma_start3A_4 : memref<1x128xi32, #tpu.memory_space<vmem>> -> memref<128xi32, #tpu.memory_space<vmem>>
    %dma_start3A_6 = arith.constant 0 : i32
    %dma_start3A_7 = arith.constant 0 : i32
    %dma_start3A_8 = tpu.memref_slice %arg2[%dma_start3A_6, %dma_start3A_7] : memref<100000x128xf32, #tpu.memory_space<hbm>> -> memref<100000x128xf32, #tpu.memory_space<hbm>>
    tpu.enqueue_indirect_dma source(%dma_start3A_8 : memref<100000x128xf32, #tpu.memory_space<hbm>>) target(%arg6 : memref<128x128xf32, #tpu.memory_space<vmem>>) offsets(%dma_start3A_5 : memref<128xi32, #tpu.memory_space<vmem>>) semaphore(%arg11 : memref<!tpu.dma_semaphore, #tpu.memory_space<semaphore_mem>>)
    %dma_start3A_9 = arith.constant 1 : i32
    %dma_start3A_10 = arith.constant 0 : i32
    %dma_start3A_11 = tpu.memref_slice %arg5[%dma_start3A_9, %dma_start3A_10] : memref<50x128xi32, #tpu.memory_space<vmem>> -> memref<1x128xi32, #tpu.memory_space<vmem>>
    %dma_start3A_12 = tpu.memref_squeeze %dma_start3A_11 : memref<1x128xi32, #tpu.memory_space<vmem>> -> memref<128xi32, #tpu.memory_space<vmem>>
    %dma_start3A_13 = arith.constant 0 : i32
    %dma_start3A_14 = arith.constant 0 : i32
    %dma_start3A_15 = tpu.memref_slice %arg2[%dma_start3A_13, %dma_start3A_14] : memref<100000x128xf32, #tpu.memory_space<hbm>> -> memref<100000x128xf32, #tpu.memory_space<hbm>>
    tpu.enqueue_indirect_dma source(%dma_start3A_15 : memref<100000x128xf32, #tpu.memory_space<hbm>>) target(%arg7 : memref<128x128xf32, #tpu.memory_space<vmem>>) offsets(%dma_start3A_12 : memref<128xi32, #tpu.memory_space<vmem>>) semaphore(%arg12 : memref<!tpu.dma_semaphore, #tpu.memory_space<semaphore_mem>>)
    %dma_start3A_16 = arith.constant 2 : i32
    %dma_start3A_17 = arith.constant 0 : i32
    %dma_start3A_18 = tpu.memref_slice %arg5[%dma_start3A_16, %dma_start3A_17] : memref<50x128xi32, #tpu.memory_space<vmem>> -> memref<1x128xi32, #tpu.memory_space<vmem>>
    %dma_start3A_19 = tpu.memref_squeeze %dma_start3A_18 : memref<1x128xi32, #tpu.memory_space<vmem>> -> memref<128xi32, #tpu.memory_space<vmem>>
    %dma_start3A_20 = arith.constant 0 : i32
    %dma_start3A_21 = arith.constant 0 : i32
    %dma_start3A_22 = tpu.memref_slice %arg2[%dma_start3A_20, %dma_start3A_21] : memref<100000x128xf32, #tpu.memory_space<hbm>> -> memref<100000x128xf32, #tpu.memory_space<hbm>>
    tpu.enqueue_indirect_dma source(%dma_start3A_22 : memref<100000x128xf32, #tpu.memory_space<hbm>>) target(%arg8 : memref<128x128xf32, #tpu.memory_space<vmem>>) offsets(%dma_start3A_19 : memref<128xi32, #tpu.memory_space<vmem>>) semaphore(%arg13 : memref<!tpu.dma_semaphore, #tpu.memory_space<semaphore_mem>>)
    %dma_start3A_23 = arith.constant 3 : i32
    %dma_start3A_24 = arith.constant 0 : i32
    %dma_start3A_25 = tpu.memref_slice %arg5[%dma_start3A_23, %dma_start3A_24] : memref<50x128xi32, #tpu.memory_space<vmem>> -> memref<1x128xi32, #tpu.memory_space<vmem>>
    %dma_start3A_26 = tpu.memref_squeeze %dma_start3A_25 : memref<1x128xi32, #tpu.memory_space<vmem>> -> memref<128xi32, #tpu.memory_space<vmem>>
    %dma_start3A_27 = arith.constant 0 : i32
    %dma_start3A_28 = arith.constant 0 : i32
    %dma_start3A_29 = tpu.memref_slice %arg2[%dma_start3A_27, %dma_start3A_28] : memref<100000x128xf32, #tpu.memory_space<hbm>> -> memref<100000x128xf32, #tpu.memory_space<hbm>>
    tpu.enqueue_indirect_dma source(%dma_start3A_29 : memref<100000x128xf32, #tpu.memory_space<hbm>>) target(%arg9 : memref<128x128xf32, #tpu.memory_space<vmem>>) offsets(%dma_start3A_26 : memref<128xi32, #tpu.memory_space<vmem>>) semaphore(%arg14 : memref<!tpu.dma_semaphore, #tpu.memory_space<semaphore_mem>>)
    %dma_start3A_30 = arith.constant 4 : i32
    %dma_start3A_31 = arith.constant 0 : i32
    %dma_start3A_32 = tpu.memref_slice %arg5[%dma_start3A_30, %dma_start3A_31] : memref<50x128xi32, #tpu.memory_space<vmem>> -> memref<1x128xi32, #tpu.memory_space<vmem>>
    %dma_start3A_33 = tpu.memref_squeeze %dma_start3A_32 : memref<1x128xi32, #tpu.memory_space<vmem>> -> memref<128xi32, #tpu.memory_space<vmem>>
    %dma_start3A_34 = arith.constant 0 : i32
    %dma_start3A_35 = arith.constant 0 : i32
    %dma_start3A_36 = tpu.memref_slice %arg2[%dma_start3A_34, %dma_start3A_35] : memref<100000x128xf32, #tpu.memory_space<hbm>> -> memref<100000x128xf32, #tpu.memory_space<hbm>>
    tpu.enqueue_indirect_dma source(%dma_start3A_36 : memref<100000x128xf32, #tpu.memory_space<hbm>>) target(%arg10 : memref<128x128xf32, #tpu.memory_space<vmem>>) offsets(%dma_start3A_33 : memref<128xi32, #tpu.memory_space<vmem>>) semaphore(%arg15 : memref<!tpu.dma_semaphore, #tpu.memory_space<semaphore_mem>>)
    %scan3A = arith.constant 0 : i32
    %scan3A_37 = arith.constant 10 : i32
    %scan3A_38 = arith.addi %scan3A, %scan3A_37 : i32
    %scan3A_39 = arith.constant 1 : i32
    scf.for %scan3A_70 = %scan3A to %scan3A_38 step %scan3A_39  : i32 {
      %mul3A_71 = arith.constant 1 : i32
      %mul3A_72 = arith.muli %scan3A_70, %mul3A_71 : i32
      %add3A_73 = arith.constant 0 : i32
      %add3A_74 = arith.addi %add3A_73, %mul3A_72 : i32
      %mul3A_75 = arith.constant 5 : i32
      %mul3A_76 = arith.muli %add3A_74, %mul3A_75 : i32
      %add3A_77 = arith.constant 0 : i32
      %add3A_78 = arith.addi %mul3A_76, %add3A_77 : i32
      %dma_wait3A_79 = arith.constant 0 : i32
      %dma_wait3A_80 = tpu.memref_slice %arg5[%add3A_78, %dma_wait3A_79] : memref<50x128xi32, #tpu.memory_space<vmem>> -> memref<1x128xi32, #tpu.memory_space<vmem>>
      %dma_wait3A_81 = tpu.memref_squeeze %dma_wait3A_80 : memref<1x128xi32, #tpu.memory_space<vmem>> -> memref<128xi32, #tpu.memory_space<vmem>>
      %dma_wait3A_82 = arith.constant 0 : i32
      %dma_wait3A_83 = arith.constant 0 : i32
      %dma_wait3A_84 = tpu.memref_slice %arg2[%dma_wait3A_82, %dma_wait3A_83] : memref<100000x128xf32, #tpu.memory_space<hbm>> -> memref<100000x128xf32, #tpu.memory_space<hbm>>
      tpu.wait_indirect_dma semaphore(%arg11 : memref<!tpu.dma_semaphore, #tpu.memory_space<semaphore_mem>>) src(%dma_wait3A_84 : memref<100000x128xf32, #tpu.memory_space<hbm>>) dst(%arg6 : memref<128x128xf32, #tpu.memory_space<vmem>>)
      %add3A_85 = arith.constant 0 : i32
      %add3A_86 = arith.addi %mul3A_76, %add3A_85 : i32
      %mul3A_87 = arith.constant 128 : i32
      %mul3A_88 = arith.muli %add3A_86, %mul3A_87 : i32
      %add3A_89 = arith.addi %mul3A_2, %mul3A_88 : i32
      %dma_start3A_90 = arith.constant 0 : i32
      %dma_start3A_91 = tpu.memref_slice %arg4[%add3A_89, %dma_start3A_90] : memref<204800x128xf32, #tpu.memory_space<hbm>> -> memref<128x128xf32, #tpu.memory_space<hbm>>
      %dma_start3A_92 = arith.constant 0 : i32
      %dma_start3A_93 = tpu.memref_slice %arg4[%add3A_89, %dma_start3A_92] : memref<204800x128xf32, #tpu.memory_space<hbm>> -> memref<128x128xf32, #tpu.memory_space<hbm>>
      tpu.enqueue_dma source(%arg6 : memref<128x128xf32, #tpu.memory_space<vmem>>) target(%dma_start3A_93 : memref<128x128xf32, #tpu.memory_space<hbm>>) target_semaphore(%arg16 : memref<!tpu.dma_semaphore, #tpu.memory_space<semaphore_mem>>)
      %add3A_94 = arith.constant 1 : i32
      %add3A_95 = arith.addi %mul3A_76, %add3A_94 : i32
      %dma_wait3A_96 = arith.constant 0 : i32
      %dma_wait3A_97 = tpu.memref_slice %arg5[%add3A_95, %dma_wait3A_96] : memref<50x128xi32, #tpu.memory_space<vmem>> -> memref<1x128xi32, #tpu.memory_space<vmem>>
      %dma_wait3A_98 = tpu.memref_squeeze %dma_wait3A_97 : memref<1x128xi32, #tpu.memory_space<vmem>> -> memref<128xi32, #tpu.memory_space<vmem>>
      %dma_wait3A_99 = arith.constant 0 : i32
      %dma_wait3A_100 = arith.constant 0 : i32
      %dma_wait3A_101 = tpu.memref_slice %arg2[%dma_wait3A_99, %dma_wait3A_100] : memref<100000x128xf32, #tpu.memory_space<hbm>> -> memref<100000x128xf32, #tpu.memory_space<hbm>>
      tpu.wait_indirect_dma semaphore(%arg12 : memref<!tpu.dma_semaphore, #tpu.memory_space<semaphore_mem>>) src(%dma_wait3A_101 : memref<100000x128xf32, #tpu.memory_space<hbm>>) dst(%arg7 : memref<128x128xf32, #tpu.memory_space<vmem>>)
      %add3A_102 = arith.constant 1 : i32
      %add3A_103 = arith.addi %mul3A_76, %add3A_102 : i32
      %mul3A_104 = arith.constant 128 : i32
      %mul3A_105 = arith.muli %add3A_103, %mul3A_104 : i32
      %add3A_106 = arith.addi %mul3A_2, %mul3A_105 : i32
      %dma_start3A_107 = arith.constant 0 : i32
      %dma_start3A_108 = tpu.memref_slice %arg4[%add3A_106, %dma_start3A_107] : memref<204800x128xf32, #tpu.memory_space<hbm>> -> memref<128x128xf32, #tpu.memory_space<hbm>>
      %dma_start3A_109 = arith.constant 0 : i32
      %dma_start3A_110 = tpu.memref_slice %arg4[%add3A_106, %dma_start3A_109] : memref<204800x128xf32, #tpu.memory_space<hbm>> -> memref<128x128xf32, #tpu.memory_space<hbm>>
      tpu.enqueue_dma source(%arg7 : memref<128x128xf32, #tpu.memory_space<vmem>>) target(%dma_start3A_110 : memref<128x128xf32, #tpu.memory_space<hbm>>) target_semaphore(%arg17 : memref<!tpu.dma_semaphore, #tpu.memory_space<semaphore_mem>>)
      %add3A_111 = arith.constant 2 : i32
      %add3A_112 = arith.addi %mul3A_76, %add3A_111 : i32
      %dma_wait3A_113 = arith.constant 0 : i32
      %dma_wait3A_114 = tpu.memref_slice %arg5[%add3A_112, %dma_wait3A_113] : memref<50x128xi32, #tpu.memory_space<vmem>> -> memref<1x128xi32, #tpu.memory_space<vmem>>
      %dma_wait3A_115 = tpu.memref_squeeze %dma_wait3A_114 : memref<1x128xi32, #tpu.memory_space<vmem>> -> memref<128xi32, #tpu.memory_space<vmem>>
      %dma_wait3A_116 = arith.constant 0 : i32
      %dma_wait3A_117 = arith.constant 0 : i32
      %dma_wait3A_118 = tpu.memref_slice %arg2[%dma_wait3A_116, %dma_wait3A_117] : memref<100000x128xf32, #tpu.memory_space<hbm>> -> memref<100000x128xf32, #tpu.memory_space<hbm>>
      tpu.wait_indirect_dma semaphore(%arg13 : memref<!tpu.dma_semaphore, #tpu.memory_space<semaphore_mem>>) src(%dma_wait3A_118 : memref<100000x128xf32, #tpu.memory_space<hbm>>) dst(%arg8 : memref<128x128xf32, #tpu.memory_space<vmem>>)
      %add3A_119 = arith.constant 2 : i32
      %add3A_120 = arith.addi %mul3A_76, %add3A_119 : i32
      %mul3A_121 = arith.constant 128 : i32
      %mul3A_122 = arith.muli %add3A_120, %mul3A_121 : i32
      %add3A_123 = arith.addi %mul3A_2, %mul3A_122 : i32
      %dma_start3A_124 = arith.constant 0 : i32
      %dma_start3A_125 = tpu.memref_slice %arg4[%add3A_123, %dma_start3A_124] : memref<204800x128xf32, #tpu.memory_space<hbm>> -> memref<128x128xf32, #tpu.memory_space<hbm>>
      %dma_start3A_126 = arith.constant 0 : i32
      %dma_start3A_127 = tpu.memref_slice %arg4[%add3A_123, %dma_start3A_126] : memref<204800x128xf32, #tpu.memory_space<hbm>> -> memref<128x128xf32, #tpu.memory_space<hbm>>
      tpu.enqueue_dma source(%arg8 : memref<128x128xf32, #tpu.memory_space<vmem>>) target(%dma_start3A_127 : memref<128x128xf32, #tpu.memory_space<hbm>>) target_semaphore(%arg18 : memref<!tpu.dma_semaphore, #tpu.memory_space<semaphore_mem>>)
      %add3A_128 = arith.constant 3 : i32
      %add3A_129 = arith.addi %mul3A_76, %add3A_128 : i32
      %dma_wait3A_130 = arith.constant 0 : i32
      %dma_wait3A_131 = tpu.memref_slice %arg5[%add3A_129, %dma_wait3A_130] : memref<50x128xi32, #tpu.memory_space<vmem>> -> memref<1x128xi32, #tpu.memory_space<vmem>>
      %dma_wait3A_132 = tpu.memref_squeeze %dma_wait3A_131 : memref<1x128xi32, #tpu.memory_space<vmem>> -> memref<128xi32, #tpu.memory_space<vmem>>
      %dma_wait3A_133 = arith.constant 0 : i32
      %dma_wait3A_134 = arith.constant 0 : i32
      %dma_wait3A_135 = tpu.memref_slice %arg2[%dma_wait3A_133, %dma_wait3A_134] : memref<100000x128xf32, #tpu.memory_space<hbm>> -> memref<100000x128xf32, #tpu.memory_space<hbm>>
      tpu.wait_indirect_dma semaphore(%arg14 : memref<!tpu.dma_semaphore, #tpu.memory_space<semaphore_mem>>) src(%dma_wait3A_135 : memref<100000x128xf32, #tpu.memory_space<hbm>>) dst(%arg9 : memref<128x128xf32, #tpu.memory_space<vmem>>)
      %add3A_136 = arith.constant 3 : i32
      %add3A_137 = arith.addi %mul3A_76, %add3A_136 : i32
      %mul3A_138 = arith.constant 128 : i32
      %mul3A_139 = arith.muli %add3A_137, %mul3A_138 : i32
      %add3A_140 = arith.addi %mul3A_2, %mul3A_139 : i32
      %dma_start3A_141 = arith.constant 0 : i32
      %dma_start3A_142 = tpu.memref_slice %arg4[%add3A_140, %dma_start3A_141] : memref<204800x128xf32, #tpu.memory_space<hbm>> -> memref<128x128xf32, #tpu.memory_space<hbm>>
      %dma_start3A_143 = arith.constant 0 : i32
      %dma_start3A_144 = tpu.memref_slice %arg4[%add3A_140, %dma_start3A_143] : memref<204800x128xf32, #tpu.memory_space<hbm>> -> memref<128x128xf32, #tpu.memory_space<hbm>>
      tpu.enqueue_dma source(%arg9 : memref<128x128xf32, #tpu.memory_space<vmem>>) target(%dma_start3A_144 : memref<128x128xf32, #tpu.memory_space<hbm>>) target_semaphore(%arg19 : memref<!tpu.dma_semaphore, #tpu.memory_space<semaphore_mem>>)
      %add3A_145 = arith.constant 4 : i32
      %add3A_146 = arith.addi %mul3A_76, %add3A_145 : i32
      %dma_wait3A_147 = arith.constant 0 : i32
      %dma_wait3A_148 = tpu.memref_slice %arg5[%add3A_146, %dma_wait3A_147] : memref<50x128xi32, #tpu.memory_space<vmem>> -> memref<1x128xi32, #tpu.memory_space<vmem>>
      %dma_wait3A_149 = tpu.memref_squeeze %dma_wait3A_148 : memref<1x128xi32, #tpu.memory_space<vmem>> -> memref<128xi32, #tpu.memory_space<vmem>>
      %dma_wait3A_150 = arith.constant 0 : i32
      %dma_wait3A_151 = arith.constant 0 : i32
      %dma_wait3A_152 = tpu.memref_slice %arg2[%dma_wait3A_150, %dma_wait3A_151] : memref<100000x128xf32, #tpu.memory_space<hbm>> -> memref<100000x128xf32, #tpu.memory_space<hbm>>
      tpu.wait_indirect_dma semaphore(%arg15 : memref<!tpu.dma_semaphore, #tpu.memory_space<semaphore_mem>>) src(%dma_wait3A_152 : memref<100000x128xf32, #tpu.memory_space<hbm>>) dst(%arg10 : memref<128x128xf32, #tpu.memory_space<vmem>>)
      %add3A_153 = arith.constant 4 : i32
      %add3A_154 = arith.addi %mul3A_76, %add3A_153 : i32
      %mul3A_155 = arith.constant 128 : i32
      %mul3A_156 = arith.muli %add3A_154, %mul3A_155 : i32
      %add3A_157 = arith.addi %mul3A_2, %mul3A_156 : i32
      %dma_start3A_158 = arith.constant 0 : i32
      %dma_start3A_159 = tpu.memref_slice %arg4[%add3A_157, %dma_start3A_158] : memref<204800x128xf32, #tpu.memory_space<hbm>> -> memref<128x128xf32, #tpu.memory_space<hbm>>
      %dma_start3A_160 = arith.constant 0 : i32
      %dma_start3A_161 = tpu.memref_slice %arg4[%add3A_157, %dma_start3A_160] : memref<204800x128xf32, #tpu.memory_space<hbm>> -> memref<128x128xf32, #tpu.memory_space<hbm>>
      tpu.enqueue_dma source(%arg10 : memref<128x128xf32, #tpu.memory_space<vmem>>) target(%dma_start3A_161 : memref<128x128xf32, #tpu.memory_space<hbm>>) target_semaphore(%arg20 : memref<!tpu.dma_semaphore, #tpu.memory_space<semaphore_mem>>)
      %add3A_162 = arith.constant 0 : i32
      %add3A_163 = arith.addi %mul3A_76, %add3A_162 : i32
      %add3A_164 = arith.constant 5 : i32
      %add3A_165 = arith.addi %add3A_163, %add3A_164 : i32
      %lt3A = arith.constant 50 : i32
      %lt3A_166 = arith.cmpi slt, %add3A_165, %lt3A : i32
      %convert_element_type3A = arith.extui %lt3A_166 : i1 to i32
      %cond3A = arith.constant 0 : i32
      %cond3A_167 = arith.cmpi ne, %convert_element_type3A, %cond3A : i32
      scf.if %cond3A_167 {
        %add3A_204 = arith.constant 0 : i32
        %add3A_205 = arith.addi %mul3A_76, %add3A_204 : i32
        %mul3A_206 = arith.constant 128 : i32
        %mul3A_207 = arith.muli %add3A_205, %mul3A_206 : i32
        %add3A_208 = arith.addi %mul3A_2, %mul3A_207 : i32
        %dma_wait3A_209 = arith.constant 0 : i32
        %dma_wait3A_210 = tpu.memref_slice %arg4[%add3A_208, %dma_wait3A_209] : memref<204800x128xf32, #tpu.memory_space<hbm>> -> memref<128x128xf32, #tpu.memory_space<hbm>>
        %dma_wait3A_211 = arith.constant 0 : i32
        %dma_wait3A_212 = tpu.memref_slice %arg4[%add3A_208, %dma_wait3A_211] : memref<204800x128xf32, #tpu.memory_space<hbm>> -> memref<128x128xf32, #tpu.memory_space<hbm>>
        tpu.wait_dma2 semaphore(%arg16 : memref<!tpu.dma_semaphore, #tpu.memory_space<semaphore_mem>>) src(%arg6 : memref<128x128xf32, #tpu.memory_space<vmem>>) dst(%dma_wait3A_212 : memref<128x128xf32, #tpu.memory_space<hbm>>)
        %add3A_213 = arith.constant 0 : i32
        %add3A_214 = arith.addi %mul3A_76, %add3A_213 : i32
        %add3A_215 = arith.constant 5 : i32
        %add3A_216 = arith.addi %add3A_214, %add3A_215 : i32
        %dma_start3A_217 = arith.constant 0 : i32
        %dma_start3A_218 = tpu.memref_slice %arg5[%add3A_216, %dma_start3A_217] : memref<50x128xi32, #tpu.memory_space<vmem>> -> memref<1x128xi32, #tpu.memory_space<vmem>>
        %dma_start3A_219 = tpu.memref_squeeze %dma_start3A_218 : memref<1x128xi32, #tpu.memory_space<vmem>> -> memref<128xi32, #tpu.memory_space<vmem>>
        %dma_start3A_220 = arith.constant 0 : i32
        %dma_start3A_221 = arith.constant 0 : i32
        %dma_start3A_222 = tpu.memref_slice %arg2[%dma_start3A_220, %dma_start3A_221] : memref<100000x128xf32, #tpu.memory_space<hbm>> -> memref<100000x128xf32, #tpu.memory_space<hbm>>
        tpu.enqueue_indirect_dma source(%dma_start3A_222 : memref<100000x128xf32, #tpu.memory_space<hbm>>) target(%arg6 : memref<128x128xf32, #tpu.memory_space<vmem>>) offsets(%dma_start3A_219 : memref<128xi32, #tpu.memory_space<vmem>>) semaphore(%arg11 : memref<!tpu.dma_semaphore, #tpu.memory_space<semaphore_mem>>)
      } else {
      }
      %add3A_168 = arith.constant 1 : i32
      %add3A_169 = arith.addi %mul3A_76, %add3A_168 : i32
      %add3A_170 = arith.constant 5 : i32
      %add3A_171 = arith.addi %add3A_169, %add3A_170 : i32
      %lt3A_172 = arith.constant 50 : i32
      %lt3A_173 = arith.cmpi slt, %add3A_171, %lt3A_172 : i32
      %convert_element_type3A_174 = arith.extui %lt3A_173 : i1 to i32
      %cond3A_175 = arith.constant 0 : i32
      %cond3A_176 = arith.cmpi ne, %convert_element_type3A_174, %cond3A_175 : i32
      scf.if %cond3A_176 {
        %add3A_204 = arith.constant 1 : i32
        %add3A_205 = arith.addi %mul3A_76, %add3A_204 : i32
        %mul3A_206 = arith.constant 128 : i32
        %mul3A_207 = arith.muli %add3A_205, %mul3A_206 : i32
        %add3A_208 = arith.addi %mul3A_2, %mul3A_207 : i32
        %dma_wait3A_209 = arith.constant 0 : i32
        %dma_wait3A_210 = tpu.memref_slice %arg4[%add3A_208, %dma_wait3A_209] : memref<204800x128xf32, #tpu.memory_space<hbm>> -> memref<128x128xf32, #tpu.memory_space<hbm>>
        %dma_wait3A_211 = arith.constant 0 : i32
        %dma_wait3A_212 = tpu.memref_slice %arg4[%add3A_208, %dma_wait3A_211] : memref<204800x128xf32, #tpu.memory_space<hbm>> -> memref<128x128xf32, #tpu.memory_space<hbm>>
        tpu.wait_dma2 semaphore(%arg17 : memref<!tpu.dma_semaphore, #tpu.memory_space<semaphore_mem>>) src(%arg7 : memref<128x128xf32, #tpu.memory_space<vmem>>) dst(%dma_wait3A_212 : memref<128x128xf32, #tpu.memory_space<hbm>>)
        %add3A_213 = arith.constant 1 : i32
        %add3A_214 = arith.addi %mul3A_76, %add3A_213 : i32
        %add3A_215 = arith.constant 5 : i32
        %add3A_216 = arith.addi %add3A_214, %add3A_215 : i32
        %dma_start3A_217 = arith.constant 0 : i32
        %dma_start3A_218 = tpu.memref_slice %arg5[%add3A_216, %dma_start3A_217] : memref<50x128xi32, #tpu.memory_space<vmem>> -> memref<1x128xi32, #tpu.memory_space<vmem>>
        %dma_start3A_219 = tpu.memref_squeeze %dma_start3A_218 : memref<1x128xi32, #tpu.memory_space<vmem>> -> memref<128xi32, #tpu.memory_space<vmem>>
        %dma_start3A_220 = arith.constant 0 : i32
        %dma_start3A_221 = arith.constant 0 : i32
        %dma_start3A_222 = tpu.memref_slice %arg2[%dma_start3A_220, %dma_start3A_221] : memref<100000x128xf32, #tpu.memory_space<hbm>> -> memref<100000x128xf32, #tpu.memory_space<hbm>>
        tpu.enqueue_indirect_dma source(%dma_start3A_222 : memref<100000x128xf32, #tpu.memory_space<hbm>>) target(%arg7 : memref<128x128xf32, #tpu.memory_space<vmem>>) offsets(%dma_start3A_219 : memref<128xi32, #tpu.memory_space<vmem>>) semaphore(%arg12 : memref<!tpu.dma_semaphore, #tpu.memory_space<semaphore_mem>>)
      } else {
      }
      %add3A_177 = arith.constant 2 : i32
      %add3A_178 = arith.addi %mul3A_76, %add3A_177 : i32
      %add3A_179 = arith.constant 5 : i32
      %add3A_180 = arith.addi %add3A_178, %add3A_179 : i32
      %lt3A_181 = arith.constant 50 : i32
      %lt3A_182 = arith.cmpi slt, %add3A_180, %lt3A_181 : i32
      %convert_element_type3A_183 = arith.extui %lt3A_182 : i1 to i32
      %cond3A_184 = arith.constant 0 : i32
      %cond3A_185 = arith.cmpi ne, %convert_element_type3A_183, %cond3A_184 : i32
      scf.if %cond3A_185 {
        %add3A_204 = arith.constant 2 : i32
        %add3A_205 = arith.addi %mul3A_76, %add3A_204 : i32
        %mul3A_206 = arith.constant 128 : i32
        %mul3A_207 = arith.muli %add3A_205, %mul3A_206 : i32
        %add3A_208 = arith.addi %mul3A_2, %mul3A_207 : i32
        %dma_wait3A_209 = arith.constant 0 : i32
        %dma_wait3A_210 = tpu.memref_slice %arg4[%add3A_208, %dma_wait3A_209] : memref<204800x128xf32, #tpu.memory_space<hbm>> -> memref<128x128xf32, #tpu.memory_space<hbm>>
        %dma_wait3A_211 = arith.constant 0 : i32
        %dma_wait3A_212 = tpu.memref_slice %arg4[%add3A_208, %dma_wait3A_211] : memref<204800x128xf32, #tpu.memory_space<hbm>> -> memref<128x128xf32, #tpu.memory_space<hbm>>
        tpu.wait_dma2 semaphore(%arg18 : memref<!tpu.dma_semaphore, #tpu.memory_space<semaphore_mem>>) src(%arg8 : memref<128x128xf32, #tpu.memory_space<vmem>>) dst(%dma_wait3A_212 : memref<128x128xf32, #tpu.memory_space<hbm>>)
        %add3A_213 = arith.constant 2 : i32
        %add3A_214 = arith.addi %mul3A_76, %add3A_213 : i32
        %add3A_215 = arith.constant 5 : i32
        %add3A_216 = arith.addi %add3A_214, %add3A_215 : i32
        %dma_start3A_217 = arith.constant 0 : i32
        %dma_start3A_218 = tpu.memref_slice %arg5[%add3A_216, %dma_start3A_217] : memref<50x128xi32, #tpu.memory_space<vmem>> -> memref<1x128xi32, #tpu.memory_space<vmem>>
        %dma_start3A_219 = tpu.memref_squeeze %dma_start3A_218 : memref<1x128xi32, #tpu.memory_space<vmem>> -> memref<128xi32, #tpu.memory_space<vmem>>
        %dma_start3A_220 = arith.constant 0 : i32
        %dma_start3A_221 = arith.constant 0 : i32
        %dma_start3A_222 = tpu.memref_slice %arg2[%dma_start3A_220, %dma_start3A_221] : memref<100000x128xf32, #tpu.memory_space<hbm>> -> memref<100000x128xf32, #tpu.memory_space<hbm>>
        tpu.enqueue_indirect_dma source(%dma_start3A_222 : memref<100000x128xf32, #tpu.memory_space<hbm>>) target(%arg8 : memref<128x128xf32, #tpu.memory_space<vmem>>) offsets(%dma_start3A_219 : memref<128xi32, #tpu.memory_space<vmem>>) semaphore(%arg13 : memref<!tpu.dma_semaphore, #tpu.memory_space<semaphore_mem>>)
      } else {
      }
      %add3A_186 = arith.constant 3 : i32
      %add3A_187 = arith.addi %mul3A_76, %add3A_186 : i32
      %add3A_188 = arith.constant 5 : i32
      %add3A_189 = arith.addi %add3A_187, %add3A_188 : i32
      %lt3A_190 = arith.constant 50 : i32
      %lt3A_191 = arith.cmpi slt, %add3A_189, %lt3A_190 : i32
      %convert_element_type3A_192 = arith.extui %lt3A_191 : i1 to i32
      %cond3A_193 = arith.constant 0 : i32
      %cond3A_194 = arith.cmpi ne, %convert_element_type3A_192, %cond3A_193 : i32
      scf.if %cond3A_194 {
        %add3A_204 = arith.constant 3 : i32
        %add3A_205 = arith.addi %mul3A_76, %add3A_204 : i32
        %mul3A_206 = arith.constant 128 : i32
        %mul3A_207 = arith.muli %add3A_205, %mul3A_206 : i32
        %add3A_208 = arith.addi %mul3A_2, %mul3A_207 : i32
        %dma_wait3A_209 = arith.constant 0 : i32
        %dma_wait3A_210 = tpu.memref_slice %arg4[%add3A_208, %dma_wait3A_209] : memref<204800x128xf32, #tpu.memory_space<hbm>> -> memref<128x128xf32, #tpu.memory_space<hbm>>
        %dma_wait3A_211 = arith.constant 0 : i32
        %dma_wait3A_212 = tpu.memref_slice %arg4[%add3A_208, %dma_wait3A_211] : memref<204800x128xf32, #tpu.memory_space<hbm>> -> memref<128x128xf32, #tpu.memory_space<hbm>>
        tpu.wait_dma2 semaphore(%arg19 : memref<!tpu.dma_semaphore, #tpu.memory_space<semaphore_mem>>) src(%arg9 : memref<128x128xf32, #tpu.memory_space<vmem>>) dst(%dma_wait3A_212 : memref<128x128xf32, #tpu.memory_space<hbm>>)
        %add3A_213 = arith.constant 3 : i32
        %add3A_214 = arith.addi %mul3A_76, %add3A_213 : i32
        %add3A_215 = arith.constant 5 : i32
        %add3A_216 = arith.addi %add3A_214, %add3A_215 : i32
        %dma_start3A_217 = arith.constant 0 : i32
        %dma_start3A_218 = tpu.memref_slice %arg5[%add3A_216, %dma_start3A_217] : memref<50x128xi32, #tpu.memory_space<vmem>> -> memref<1x128xi32, #tpu.memory_space<vmem>>
        %dma_start3A_219 = tpu.memref_squeeze %dma_start3A_218 : memref<1x128xi32, #tpu.memory_space<vmem>> -> memref<128xi32, #tpu.memory_space<vmem>>
        %dma_start3A_220 = arith.constant 0 : i32
        %dma_start3A_221 = arith.constant 0 : i32
        %dma_start3A_222 = tpu.memref_slice %arg2[%dma_start3A_220, %dma_start3A_221] : memref<100000x128xf32, #tpu.memory_space<hbm>> -> memref<100000x128xf32, #tpu.memory_space<hbm>>
        tpu.enqueue_indirect_dma source(%dma_start3A_222 : memref<100000x128xf32, #tpu.memory_space<hbm>>) target(%arg9 : memref<128x128xf32, #tpu.memory_space<vmem>>) offsets(%dma_start3A_219 : memref<128xi32, #tpu.memory_space<vmem>>) semaphore(%arg14 : memref<!tpu.dma_semaphore, #tpu.memory_space<semaphore_mem>>)
      } else {
      }
      %add3A_195 = arith.constant 4 : i32
      %add3A_196 = arith.addi %mul3A_76, %add3A_195 : i32
      %add3A_197 = arith.constant 5 : i32
      %add3A_198 = arith.addi %add3A_196, %add3A_197 : i32
      %lt3A_199 = arith.constant 50 : i32
      %lt3A_200 = arith.cmpi slt, %add3A_198, %lt3A_199 : i32
      %convert_element_type3A_201 = arith.extui %lt3A_200 : i1 to i32
      %cond3A_202 = arith.constant 0 : i32
      %cond3A_203 = arith.cmpi ne, %convert_element_type3A_201, %cond3A_202 : i32
      scf.if %cond3A_203 {
        %add3A_204 = arith.constant 4 : i32
        %add3A_205 = arith.addi %mul3A_76, %add3A_204 : i32
        %mul3A_206 = arith.constant 128 : i32
        %mul3A_207 = arith.muli %add3A_205, %mul3A_206 : i32
        %add3A_208 = arith.addi %mul3A_2, %mul3A_207 : i32
        %dma_wait3A_209 = arith.constant 0 : i32
        %dma_wait3A_210 = tpu.memref_slice %arg4[%add3A_208, %dma_wait3A_209] : memref<204800x128xf32, #tpu.memory_space<hbm>> -> memref<128x128xf32, #tpu.memory_space<hbm>>
        %dma_wait3A_211 = arith.constant 0 : i32
        %dma_wait3A_212 = tpu.memref_slice %arg4[%add3A_208, %dma_wait3A_211] : memref<204800x128xf32, #tpu.memory_space<hbm>> -> memref<128x128xf32, #tpu.memory_space<hbm>>
        tpu.wait_dma2 semaphore(%arg20 : memref<!tpu.dma_semaphore, #tpu.memory_space<semaphore_mem>>) src(%arg10 : memref<128x128xf32, #tpu.memory_space<vmem>>) dst(%dma_wait3A_212 : memref<128x128xf32, #tpu.memory_space<hbm>>)
        %add3A_213 = arith.constant 4 : i32
        %add3A_214 = arith.addi %mul3A_76, %add3A_213 : i32
        %add3A_215 = arith.constant 5 : i32
        %add3A_216 = arith.addi %add3A_214, %add3A_215 : i32
        %dma_start3A_217 = arith.constant 0 : i32
        %dma_start3A_218 = tpu.memref_slice %arg5[%add3A_216, %dma_start3A_217] : memref<50x128xi32, #tpu.memory_space<vmem>> -> memref<1x128xi32, #tpu.memory_space<vmem>>
        %dma_start3A_219 = tpu.memref_squeeze %dma_start3A_218 : memref<1x128xi32, #tpu.memory_space<vmem>> -> memref<128xi32, #tpu.memory_space<vmem>>
        %dma_start3A_220 = arith.constant 0 : i32
        %dma_start3A_221 = arith.constant 0 : i32
        %dma_start3A_222 = tpu.memref_slice %arg2[%dma_start3A_220, %dma_start3A_221] : memref<100000x128xf32, #tpu.memory_space<hbm>> -> memref<100000x128xf32, #tpu.memory_space<hbm>>
        tpu.enqueue_indirect_dma source(%dma_start3A_222 : memref<100000x128xf32, #tpu.memory_space<hbm>>) target(%arg10 : memref<128x128xf32, #tpu.memory_space<vmem>>) offsets(%dma_start3A_219 : memref<128xi32, #tpu.memory_space<vmem>>) semaphore(%arg15 : memref<!tpu.dma_semaphore, #tpu.memory_space<semaphore_mem>>)
      } else {
      }
    }
    %scan3A_40 = arith.constant 10 : i32
    %add3A_41 = arith.constant 5760 : i32
    %add3A_42 = arith.addi %mul3A_2, %add3A_41 : i32
    %dma_wait3A = arith.constant 0 : i32
    %dma_wait3A_43 = tpu.memref_slice %arg4[%add3A_42, %dma_wait3A] : memref<204800x128xf32, #tpu.memory_space<hbm>> -> memref<128x128xf32, #tpu.memory_space<hbm>>
    %dma_wait3A_44 = arith.constant 0 : i32
    %dma_wait3A_45 = tpu.memref_slice %arg4[%add3A_42, %dma_wait3A_44] : memref<204800x128xf32, #tpu.memory_space<hbm>> -> memref<128x128xf32, #tpu.memory_space<hbm>>
    tpu.wait_dma2 semaphore(%arg16 : memref<!tpu.dma_semaphore, #tpu.memory_space<semaphore_mem>>) src(%arg6 : memref<128x128xf32, #tpu.memory_space<vmem>>) dst(%dma_wait3A_45 : memref<128x128xf32, #tpu.memory_space<hbm>>)
    %add3A_46 = arith.constant 5888 : i32
    %add3A_47 = arith.addi %mul3A_2, %add3A_46 : i32
    %dma_wait3A_48 = arith.constant 0 : i32
    %dma_wait3A_49 = tpu.memref_slice %arg4[%add3A_47, %dma_wait3A_48] : memref<204800x128xf32, #tpu.memory_space<hbm>> -> memref<128x128xf32, #tpu.memory_space<hbm>>
    %dma_wait3A_50 = arith.constant 0 : i32
    %dma_wait3A_51 = tpu.memref_slice %arg4[%add3A_47, %dma_wait3A_50] : memref<204800x128xf32, #tpu.memory_space<hbm>> -> memref<128x128xf32, #tpu.memory_space<hbm>>
    tpu.wait_dma2 semaphore(%arg17 : memref<!tpu.dma_semaphore, #tpu.memory_space<semaphore_mem>>) src(%arg7 : memref<128x128xf32, #tpu.memory_space<vmem>>) dst(%dma_wait3A_51 : memref<128x128xf32, #tpu.memory_space<hbm>>)
    %add3A_52 = arith.constant 6016 : i32
    %add3A_53 = arith.addi %mul3A_2, %add3A_52 : i32
    %dma_wait3A_54 = arith.constant 0 : i32
    %dma_wait3A_55 = tpu.memref_slice %arg4[%add3A_53, %dma_wait3A_54] : memref<204800x128xf32, #tpu.memory_space<hbm>> -> memref<128x128xf32, #tpu.memory_space<hbm>>
    %dma_wait3A_56 = arith.constant 0 : i32
    %dma_wait3A_57 = tpu.memref_slice %arg4[%add3A_53, %dma_wait3A_56] : memref<204800x128xf32, #tpu.memory_space<hbm>> -> memref<128x128xf32, #tpu.memory_space<hbm>>
    tpu.wait_dma2 semaphore(%arg18 : memref<!tpu.dma_semaphore, #tpu.memory_space<semaphore_mem>>) src(%arg8 : memref<128x128xf32, #tpu.memory_space<vmem>>) dst(%dma_wait3A_57 : memref<128x128xf32, #tpu.memory_space<hbm>>)
    %add3A_58 = arith.constant 6144 : i32
    %add3A_59 = arith.addi %mul3A_2, %add3A_58 : i32
    %dma_wait3A_60 = arith.constant 0 : i32
    %dma_wait3A_61 = tpu.memref_slice %arg4[%add3A_59, %dma_wait3A_60] : memref<204800x128xf32, #tpu.memory_space<hbm>> -> memref<128x128xf32, #tpu.memory_space<hbm>>
    %dma_wait3A_62 = arith.constant 0 : i32
    %dma_wait3A_63 = tpu.memref_slice %arg4[%add3A_59, %dma_wait3A_62] : memref<204800x128xf32, #tpu.memory_space<hbm>> -> memref<128x128xf32, #tpu.memory_space<hbm>>
    tpu.wait_dma2 semaphore(%arg19 : memref<!tpu.dma_semaphore, #tpu.memory_space<semaphore_mem>>) src(%arg9 : memref<128x128xf32, #tpu.memory_space<vmem>>) dst(%dma_wait3A_63 : memref<128x128xf32, #tpu.memory_space<hbm>>)
    %add3A_64 = arith.constant 6272 : i32
    %add3A_65 = arith.addi %mul3A_2, %add3A_64 : i32
    %dma_wait3A_66 = arith.constant 0 : i32
    %dma_wait3A_67 = tpu.memref_slice %arg4[%add3A_65, %dma_wait3A_66] : memref<204800x128xf32, #tpu.memory_space<hbm>> -> memref<128x128xf32, #tpu.memory_space<hbm>>
    %dma_wait3A_68 = arith.constant 0 : i32
    %dma_wait3A_69 = tpu.memref_slice %arg4[%add3A_65, %dma_wait3A_68] : memref<204800x128xf32, #tpu.memory_space<hbm>> -> memref<128x128xf32, #tpu.memory_space<hbm>>
    tpu.wait_dma2 semaphore(%arg20 : memref<!tpu.dma_semaphore, #tpu.memory_space<semaphore_mem>>) src(%arg10 : memref<128x128xf32, #tpu.memory_space<vmem>>) dst(%dma_wait3A_69 : memref<128x128xf32, #tpu.memory_space<hbm>>)
    return
  }
}

</mosaic_0001>

<sc_bundles>
// kernel: kernel.3.cloned.1.call-start
scs
__scs_entry_jumppad:
0x0: {  	(pc) =	sbr.rel $0x88, $3  }
0x1: {  	(tag) =	ssettag $0x0;
	lr =	simm.s32 $0x1  }
0x2: {  	[smem:$0x3F9F] =	sst lr;
	_ =	strace $0xD0000000  }
0x3: {  	_ = 	snop  }
0x4: {  	_ = 	snop  }
0x5: {  	_ = 	snop  }
0x6: {  	_ = 	snop  }
0x7: {  	_ = 	snop  }
__scs_overlays_trampoline_lowered:
0x8: {  	[smem:$0x3FAE] =	sst s0  }
0x9: {  	[smem:$0x3FAF] =	sst s1  }
0xa: {  	[smem:$0x3FB0] =	sst s2  }
0xb: {  	[smem:$0x3FB1] =	sst s3  }
0xc: {  	[smem:$0x3FB2] =	sst s4  }
0xd: {  	[smem:$0x3FB3] =	sst s5  }
0xe: {  	[smem:$0x3FB4] =	sst s6  }
0xf: {  	[smem:$0x3FB5] =	sst s7  }
0x10: {  	[smem:$0x3FB6] =	sst s8  }
0x11: {  	[smem:$0x3FB7] =	sst s9;
	s0 =	simm.s32 @!p0 $0x0  }
0x12: {  	s1 =	sld [smem:$0x3F9D];
	s0 =	simm.s32 @p0 $0x1  }
0x13: {  	[smem:$0x3FB8] =	sst s0;
	s0 =	simm.s32 @!p1 $0x0  }
0x14: {  	s2 =	sld [smem:$0x3F9C];
	s0 =	simm.s32 @p1 $0x1  }
0x15: {  	[smem:$0x3FB9] =	sst s0;
	s0 =	simm.s32 @!p2 $0x0  }
0x16: {  	s3 =	sld [smem:$0x3FDB];
	s0 =	simm.s32 @p2 $0x1  }
0x17: {  	s4 =	simm.s32 $0x1BF5;
	[smem:$0x3FBB] =	sst s0  }
0x18: {  	s0 =	sld [smem:$0x3F9E];
	_ =	swait.ge [sflag:s4], $0x0  }
0x19: {  	s7 =	sld [smem:$0x3F9F]  }
0x1a: {  	s8 =	sadd.s32 $0xFFFFE003, lr  }
0x1b: {  	s9 =	sadd.s32 $0xFFFFFEF7, lr;
	s5 =	simm.s32 $0xFFFFFFFF;
	p2 =	slt.u32 s8, $0xFFFFF086  }
0x1c: {  	p1 =	slt.u32 s9, $0xF7A;
	s5 =	simm.s32 @!p2 $0x0  }
0x1d: {  	s5 =	simm.s32 @p1 $0x1;
	p0 =	seq.s32 s7, s2  }
0x1e: {  	s7 =	smul.u32 @!p0 $0xF7A, s2;
	p2 =	seq.s32 @!p0 s5, $0x0  }
0x1f: {  	s9 =	smul.u32 $0xF7A, s1;
	s8 =	simm.s32 @!p0 $0x1BF5;
	p2 =	por !p2, p0  }
0x20: {  	[sflag:s8] =	ssyncset.s32 @!p0 $0xFFFFF086;
	s6 =	sadd.s32 @!p0 s3, s7;
	s7 =	simm.s32 @!p0 $0x108  }
0x21: {  	s3 =	sadd.s32 s3, s9;
	s6 =	sadd.s32 @!p0 $0x88, s6;
	s7 =	simm.s32 @p2 $0x1082  }
0x22: {  	[simem:s7], [sflag:s8] =	dma.local @!p0 [hbm:s6], $0xF7A  }
0x23: {  	s9 =	sor.u32 $0xD0000000, s2;
	s6 =	simm.s32 $0x108;
	_ =	swait.ge @!p0 [sflag:s8], $0x0  }
0x24: {  	s3 =	sadd.s32 $0x88, s3;
	s6 =	simm.s32 @!p1 $0x1082;
	[sflag:s4] =	ssyncset.s32 $0xFFFFF086  }
0x25: {  	[simem:s6], [sflag:s4] =	dma.local [hbm:s3], $0xF7A  }
0x26: {  	[smem:$0x3F9F] =	sst s1;
	(tag) =	ssettag s2;
	_ =	strace s9  }
0x27: {  	s1 =	sld [smem:$0x3FAF]  }
0x28: {  	s2 =	sld [smem:$0x3FB0]  }
0x29: {  	s4 =	sld [smem:$0x3FB2]  }
0x2a: {  	p0 =	seq.s32 s5, $0x0;
	s5 =	sld [smem:$0x3FB3]  }
0x2b: {  	s6 =	sld [smem:$0x3FB4]  }
0x2c: {  	s7 =	sld [smem:$0x3FB5]  }
0x2d: {  	s3 =	simm.s32 $0x108;
	s8 =	sld [smem:$0x3FB6]  }
0x2e: {  	s3 =	simm.s32 @!p0 $0x1082;
	s9 =	sld [smem:$0x3FB7]  }
0x2f: {  	lr =	sadd.s32 s0, s3;
	s0 =	sld [smem:$0x3FAE]  }
0x30: {  	s3 =	sld [smem:$0x3FB1]  }
0x31: {  	[smem:$0x3FBA] =	sst s10  }
0x32: {  	s10 =	sld [smem:$0x3FB8];
	_ =	sdelay $0x3  }
0x33: {  	p0 =	seq.s32 s10, $0x1;
	s10 =	sld [smem:$0x3FBA];
	_ =	sdelay $0x3  }
0x34: {  	[smem:$0x3FBA] =	sst s10  }
0x35: {  	s10 =	sld [smem:$0x3FB9];
	_ =	sdelay $0x3  }
0x36: {  	p1 =	seq.s32 s10, $0x1;
	s10 =	sld [smem:$0x3FBA];
	_ =	sdelay $0x3  }
0x37: {  	[smem:$0x3FBA] =	sst s10  }
0x38: {  	s10 =	sld [smem:$0x3FBB]  }
0x39: {  	_ = 	snop;
	(pc) =	sbr.ind lr, $3  }
0x3a: {  	_ = 	snop  }
0x3b: {  	_ = 	snop  }
0x3c: {  	p2 =	seq.s32 s10, $0x1;
	s10 =	sld [smem:$0x3FBA]  }
0x3d: {  	_ =	shalt  }
0x3e: {  	_ =	shalt  }
0x3f: {  	_ =	shalt  }
0x40: {  	_ =	shalt  }
0x41: {  	_ =	shalt  }
0x42: {  	_ =	shalt  }
0x43: {  	_ =	shalt  }
0x44: {  	_ =	shalt  }
0x45: {  	_ =	shalt  }
0x46: {  	_ =	shalt  }
0x47: {  	_ =	shalt  }
0x48: {  	_ =	shalt  }
0x49: {  	_ =	shalt  }
0x4a: {  	_ =	shalt  }
0x4b: {  	_ =	shalt  }
0x4c: {  	_ =	shalt  }
0x4d: {  	_ =	shalt  }
0x4e: {  	_ =	shalt  }
0x4f: {  	_ =	shalt  }
0x50: {  	_ =	shalt  }
0x51: {  	_ =	shalt  }
0x52: {  	_ =	shalt  }
0x53: {  	_ =	shalt  }
0x54: {  	_ =	shalt  }
0x55: {  	_ =	shalt  }
0x56: {  	_ =	shalt  }
0x57: {  	_ =	shalt  }
0x58: {  	_ =	shalt  }
0x59: {  	_ =	shalt  }
0x5a: {  	_ =	shalt  }
0x5b: {  	_ =	shalt  }
0x5c: {  	_ =	shalt  }
0x5d: {  	_ =	shalt  }
0x5e: {  	_ =	shalt  }
0x5f: {  	_ =	shalt  }
0x60: {  	_ =	shalt  }
0x61: {  	_ =	shalt  }
0x62: {  	_ =	shalt  }
0x63: {  	_ =	shalt  }
0x64: {  	_ =	shalt  }
0x65: {  	_ =	shalt  }
0x66: {  	_ =	shalt  }
0x67: {  	_ =	shalt  }
0x68: {  	_ =	shalt  }
0x69: {  	_ =	shalt  }
0x6a: {  	_ =	shalt  }
0x6b: {  	_ =	shalt  }
0x6c: {  	_ =	shalt  }
0x6d: {  	_ =	shalt  }
0x6e: {  	_ =	shalt  }
0x6f: {  	_ =	shalt  }
0x70: {  	_ =	shalt  }
0x71: {  	_ =	shalt  }
0x72: {  	_ =	shalt  }
0x73: {  	_ =	shalt  }
0x74: {  	_ =	shalt  }
0x75: {  	_ =	shalt  }
0x76: {  	_ =	shalt  }
0x77: {  	_ =	shalt  }
0x78: {  	_ =	shalt  }
0x79: {  	_ =	shalt  }
0x7a: {  	_ =	shalt  }
0x7b: {  	_ =	shalt  }
0x7c: {  	_ =	shalt  }
0x7d: {  	_ =	shalt  }
0x7e: {  	_ =	shalt  }
0x7f: {  	_ =	shalt  }
0x80: {  	_ =	shalt  }
0x81: {  	_ =	shalt  }
0x82: {  	_ =	shalt  }
0x83: {  	_ =	shalt  }
0x84: {  	_ =	shalt  }
0x85: {  	_ =	shalt  }
0x86: {  	_ =	shalt  }
0x87: {  	_ =	shalt  }
.Lfunc_end0:
.L_simem_size_0:
called_computation_lowered:
.L_overlay_start_0:
0x88: {  	s2 =	sld [smem:$0x3FD9]  }
0x89: {  	s3 =	sld [smem:$0x3FFE];
	_ =	sdelay $0x1  }
0x8a: {  	s1 =	srdreg.scid  }
0x8b: {  	s0 =	sand.u32 $0x1, s1  }
0x8c: {  	s17 =	sshll.u32 s0, $0xA;
	s2 =	sadd.s32 s3, s2  }
0x8d: {  	s2 =	sadd.s32 s2, s17  }
0x8e: {  	[smem:$0x3FC6] =	sst s2  }
0x8f: {  	_ = 	snop  }
0x90: {  	s2 =	sld [smem:$0x3FC8]  }
0x91: {  	s18 =	sld [smem:$0x3FD0];
	(tm) =	ssettm $0x1  }
0x92: {  	s4 =	sld [smem:$0x3FFB];
	_ =	sdelay $0x3  }
0x93: {  	_ =	strace s4  }
0x94: {  	s4 =	sld [smem:$0x3FFC];
	_ =	sdelay $0x3  }
0x95: {  	_ =	strace s4  }
0x96: {  	s4 =	sld [smem:$0x3FFD];
	_ =	sdelay $0x3  }
0x97: {  	_ =	strace s4  }
0x98: {  	_ =	strace $0x8FFFFFFF  }
0x99: {  	s19 =	sld [smem:$0x3FDB];
	_ =	sdelay $0x1  }
0x9a: {  	s5 =	simm.s32 $_scs_section_size  }
0x9b: {  	s6 =	simm.s32 $_size__tile_overlayer_lowered;
	s7 =	simm.s32 $_tile_overlayer_lowered  }
0x9c: {  	s22 =	simm.s32 $0x1BFF;
	s21 =	sshll.u32 s7, $0x1;
	s4 =	sadd.s32 s5, s19  }
0x9d: {  	s8 =	simm.s32 $0x0;
	s20 =	sshll.u32 s6, $0x1;
	s6 =	sadd.s32 s21, s4  }
0x9e: {  	[timem:s8], [sflag:s22] =	dma.local [hbm:s6], s20  }
0x9f: {  	_ =	swait.ge [sflag:s22], s20  }
0xa0: {  	s5 =	ssub.s32 $0x0, s20;
	[sflag:s22] =	ssyncset.done $0x0  }
0xa1: {  	[sflag:s22] =	ssyncadd.s32 s5;
	_ =	sdelay $0x1  }
0xa2: {  	s23 =	simm.s32 $0x1B8B  }
0xa3: {  	_ =	swait.ge [sflag:s23], $0x1  }
0xa4: {  	[sflag:s23] =	ssyncset.done $0x0  }
0xa5: {  	s25 =	simm.s32 $0x1B8E;
	s24 =	sld [smem:$0x3FFE];
	[sflag:s23] =	ssyncadd.s32 $0xFFFFFFFF  }
0xa6: {  	s26 =	simm.s32 $execute0_lowered;
	[smem:$0x3FD2] =	sst s25  }
0xa7: {  	s6 =	sshll.u32 s26, $0x1;
	_ =	strace $0x80000046;
	[dreg:$0x1] =	wrdreg $0xFFFFFFFF  }
0xa8: {  	s28 =	simm.s32 $_size_execute0_lowered;
	s4 =	sadd.s32 s4, s6;
	[dreg:$0x0] =	wrdreg $0x0  }
0xa9: {  	s6 =	sshll.u32 s28, $0x1;
	[dreg:$0x2] =	wrdreg s4  }
0xaa: {  	[dreg:$0x3] =	wrdreg s6  }
0xab: {  	[dreg:$0x4] =	wrdreg $0xC0  }
0xac: {  	_ =	task [dreg:s8], $0x5FFFF  }
0xad: {  	[dreg:$0x1] =	wrdreg $0xFFFFFFFF  }
0xae: {  	[dreg:$0x0] =	wrdreg $0x60  }
0xaf: {  	[dreg:$0x2] =	wrdreg s2  }
0xb0: {  	[dreg:$0x3] =	wrdreg s24  }
0xb1: {  	[dreg:$0x4] =	wrdreg s18  }
0xb2: {  	[dreg:$0x5] =	wrdreg $0x9  }
0xb3: {  	_ =	task.clear_ibuf [dreg:s8], $0x6FFFF;
	_ =	strace $0x90000046  }
0xb4: {  	s29 =	simm.s32 $0x9;
	_ =	strace $0x80000048  }
0xb5: {  	_ =	swait.ge [sflag:s29], $0x1  }
0xb6: {  	[sflag:s29] =	ssyncadd.s32 $0xFFFFFFFF  }
0xb7: {  	_ =	strace $0x90000048  }
0xb8: {  	_ =	sfence  }
0xb9: {  	s30 =	sld [smem:$0x0];
	_ =	sdelay $0x2  }
0xba: {  	s31 =	sshll.u32 s1, $0xD;
	s1 =	sshrl.u32 s1, $0x2  }
0xbb: {  	s3 =	sand.u32 $0x4000, s31;
	s1 =	sadd.s32 s1, s30  }
0xbc: {  	s0 =	sor.u32 s3, s0;
	s1 =	sshll.u32 s1, $0x11  }
0xbd: {  	s0 =	sor.u32 s1, s0  }
0xbe: {  	s0 =	sadd.s32 $0x8F2B, s0  }
0xbf: {  	[sflag:s0] =	ssyncadd.remote.s32 $0x1  }
0xc0: {  	_ =	sfence.sel $0xFFFF  }
0xc1: {  	[dreg:$0x0] =	wrdreg $0xFFFFFFFF;
	(pc) =	sbr.abs _section_cstart, $3  }
0xc2: {  	[dreg:$0x1] =	wrdreg $0xFFFFFFFF  }
0xc3: {  	_ =	task.clear_ibuf [dreg:s8], $0x2FFFF;
	_ =	strace $0x9FFFFFFF  }
0xc4: {  	(tm) =	ssettm $0x7FFFFFFF  }
0xc5: {  	_ =	shalt  }
tec
execute0_lowered:
.L_overlay_start_1:
0x0: {  	(tag) =	ssettag $0x1  }
0x1: {  	s1 =	rddreg [dreg:$0x0]  }
0x2: {  	s2 =	srdreg.scid;
	s5 =	rddreg [dreg:$0x1]  }
0x3: {  	s0 =	stileid.u32;
	s6 =	rddreg [dreg:$0x2];
	s3 =	simm.s32 $0x0  }
0x4: {  	s11 =	simm.s32 $0x100;
	s12 =	simm.s32 $0x9C00;
	s13 =	simm.s32 $0x180  }
0x5: {  	s14 =	simm.s32 $0xDC00;
	s15 =	simm.s32 $0x200;
	s16 =	simm.s32 $0x11C00  }
0x6: {  	s17 =	simm.s32 $0x1;
	s18 =	simm.s32 $0x2;
	s19 =	simm.s32 $0x3  }
0x7: {  	s20 =	simm.s32 $0x4;
	s21 =	simm.s32 $0x5;
	s22 =	simm.s32 $0x6  }
0x8: {  	s23 =	simm.s32 $0x7;
	s24 =	simm.s32 $0x8;
	s25 =	simm.s32 $0x9  }
0x9: {  	s4 =	sand.u32 $0x1, s2;
	s30 =	sshll.u32 s0, $0x1;
	s8 =	smul.u32 $0x32000, s0  }
0xa: {  	s2 =	sor.u32 s4, s30;
	s9 =	ssub.s32 $0x2, s4;
	s4 =	smul.u32 $0x19000, s4  }
0xb: {  	s26 =	simm.s32 $0xA;
	[smem:$0x7FF] =	sst s3;
	s7 =	smul.u32 $0x380, s2  }
.Ltmp0:
0xc: {  	s28 =	simm.s32 $0x0;
	_ =	strace $0x80000047;
	(pc) =	sbr.rel .LBB2_1-.Ltmp0, $4  }
0xd: {  	s10 =	sshrl.u32 s9, $0x1;
	s6 =	sadd.s32 s8, s6;
	s8 =	simm.s32 $0x80  }
0xe: {  	s31 =	ssub.s32 s9, s10;
	s6 =	sadd.s32 s4, s6;
	s9 =	simm.s32 $0x1C00  }
0xf: {  	s10 =	simm.s32 $0x5C00;
	s5 =	sadd.s32 s7, s5;
	s6 =	sadd.s32 $0x2000, s6  }
0x10: {  	s7 =	simm.s32 $0xB;
	s4 =	sadd.s32 $0x400, s5;
	s5 =	smax.u32 s31, $0x1  }
.LBB2_4:
0x11: {  	_ =	swait.ge [sflag:s23], $0x4000  }
0x12: {  	[sflag:s23] =	ssyncset.done $0x0  }
0x13: {  	[sflag:s23] =	ssyncadd.s32 $0xFFFFC000  }
0x14: {  	_ =	swait.ge [sflag:s24], $0x4000  }
0x15: {  	[sflag:s24] =	ssyncset.done $0x0  }
0x16: {  	s28 =	sadd.s32 $0x1, s28;
	[sflag:s24] =	ssyncadd.s32 $0xFFFFC000  }
0x17: {  	p0 =	sne.s32 s28, s5;
	_ =	swait.ge [sflag:s25], $0x4000  }
.Ltmp1:
0x18: {  	[sflag:s25] =	ssyncset.done $0x0;
	(pc) =	sbr.rel @!p0 .LBB2_5-.Ltmp1, $4  }
0x19: {  	[sflag:s25] =	ssyncadd.s32 $0xFFFFC000  }
0x1a: {  	_ =	swait.ge [sflag:s26], $0x4000  }
0x1b: {  	[sflag:s26] =	ssyncset.done $0x0  }
0x1c: {  	[sflag:s26] =	ssyncadd.s32 $0xFFFFC000  }
.LBB2_1:
0x1d: {  	[tilespmem:s3], [sflag:$0xB] =	stream.linear.gather [hbm4b:s4+s3], $0x1900, $0x38;
	[tilespmem:$0x15C00] =	vst v63  }
0x1e: {  	_ =	swait.ge [sflag:s7], $0x1900  }
0x1f: {  	[sflag:s7] =	ssyncset.done $0x0  }
0x20: {  	[sflag:s7] =	ssyncadd.s32 $0xFFFFE700  }
0x21: {  	[tilespmem:s9], [sflag:$0x1] =	stream.indirect.gather [hbm4b:s1+s8], $0x80, s3, s8, $0xb8;
	[tilespmem:$0x15C00] =	vst v63  }
0x22: {  	_ = 	snop  }
0x23: {  	[tilespmem:s10], [sflag:$0x2] =	stream.indirect.gather [hbm4b:s1+s8], $0x80, s8, s8, $0xb8;
	[tilespmem:$0x15C00] =	vst v63  }
0x24: {  	_ = 	snop  }
0x25: {  	[tilespmem:s12], [sflag:$0x3] =	stream.indirect.gather [hbm4b:s1+s8], $0x80, s11, s8, $0xb8;
	[tilespmem:$0x15C00] =	vst v63  }
0x26: {  	_ = 	snop  }
0x27: {  	[tilespmem:s14], [sflag:$0x4] =	stream.indirect.gather [hbm4b:s1+s8], $0x80, s13, s8, $0xb8;
	[tilespmem:$0x15C00] =	vst v63  }
0x28: {  	s29 =	smov.u32 s6;
	s30 =	simm.s32 $0x0  }
0x29: {  	[tilespmem:s16], [sflag:$0x5] =	stream.indirect.gather [hbm4b:s1+s8], $0x80, s15, s8, $0xb8;
	[tilespmem:$0x15C00] =	vst v63  }
.LBB2_2:
0x2a: {  	_ =	swait.ge [sflag:s17], $0x4000  }
0x2b: {  	[sflag:s17] =	ssyncset.done $0x0  }
0x2c: {  	s31 =	sadd.s32 $0xFFFFE000, s29;
	[sflag:s17] =	ssyncadd.s32 $0xFFFFC000  }
0x2d: {  	[hbm4b:s31+s3] =	stream.linear.scatter [tilespmem:s9], [sflag:$0x6], $0x4000, $0x38;
	[tilespmem:$0x15C00] =	vst v63  }
0x2e: {  	_ =	swait.ge [sflag:s18], $0x4000  }
0x2f: {  	[sflag:s18] =	ssyncset.done $0x0  }
0x30: {  	s2 =	sadd.s32 $0xFFFFE800, s29;
	[sflag:s18] =	ssyncadd.s32 $0xFFFFC000  }
0x31: {  	[hbm4b:s2+s3] =	stream.linear.scatter [tilespmem:s10], [sflag:$0x7], $0x4000, $0x38;
	[tilespmem:$0x15C00] =	vst v63  }
0x32: {  	_ =	swait.ge [sflag:s19], $0x4000  }
0x33: {  	[sflag:s19] =	ssyncset.done $0x0  }
0x34: {  	s2 =	sadd.s32 $0xFFFFF000, s29;
	[sflag:s19] =	ssyncadd.s32 $0xFFFFC000  }
0x35: {  	[hbm4b:s2+s3] =	stream.linear.scatter [tilespmem:s12], [sflag:$0x8], $0x4000, $0x38;
	[tilespmem:$0x15C00] =	vst v63  }
0x36: {  	_ =	swait.ge [sflag:s20], $0x4000  }
0x37: {  	[sflag:s20] =	ssyncset.done $0x0  }
0x38: {  	s2 =	sadd.s32 $0xFFFFF800, s29;
	[sflag:s20] =	ssyncadd.s32 $0xFFFFC000  }
0x39: {  	[hbm4b:s2+s3] =	stream.linear.scatter [tilespmem:s14], [sflag:$0x9], $0x4000, $0x38;
	[tilespmem:$0x15C00] =	vst v63  }
0x3a: {  	_ =	swait.ge [sflag:s21], $0x4000  }
0x3b: {  	p0 =	seq.s32 s30, $0x5A00;
	[sflag:s21] =	ssyncset.done $0x0  }
.Ltmp2:
0x3c: {  	[sflag:s21] =	ssyncadd.s32 $0xFFFFC000;
	(pc) =	sbr.rel @p0 .LBB2_4-.Ltmp2, $4  }
0x3d: {  	[hbm4b:s29+s3] =	stream.linear.scatter [tilespmem:s16], [sflag:$0xA], $0x4000, $0x38;
	[tilespmem:$0x15C00] =	vst v63  }
0x3e: {  	_ =	swait.ge [sflag:s22], $0x4000  }
0x3f: {  	[sflag:s22] =	ssyncset.done $0x0  }
0x40: {  	[sflag:s22] =	ssyncadd.s32 $0xFFFFC000  }
0x41: {  	s31 =	sshra.s32 s30, $0x2  }
0x42: {  	s2 =	sadd.s32 $0x280, s31  }
0x43: {  	[tilespmem:s9], [sflag:$0x1] =	stream.indirect.gather [hbm4b:s1+s8], $0x80, s2, s8, $0xb8;
	[tilespmem:$0x15C00] =	vst v63  }
0x44: {  	_ =	swait.ge [sflag:s23], $0x4000  }
0x45: {  	[sflag:s23] =	ssyncset.done $0x0  }
0x46: {  	s2 =	sadd.s32 $0x300, s31;
	[sflag:s23] =	ssyncadd.s32 $0xFFFFC000  }
0x47: {  	[tilespmem:s10], [sflag:$0x2] =	stream.indirect.gather [hbm4b:s1+s8], $0x80, s2, s8, $0xb8;
	[tilespmem:$0x15C00] =	vst v63  }
0x48: {  	_ =	swait.ge [sflag:s24], $0x4000  }
0x49: {  	[sflag:s24] =	ssyncset.done $0x0  }
0x4a: {  	s2 =	sadd.s32 $0x380, s31;
	[sflag:s24] =	ssyncadd.s32 $0xFFFFC000  }
0x4b: {  	[tilespmem:s12], [sflag:$0x3] =	stream.indirect.gather [hbm4b:s1+s8], $0x80, s2, s8, $0xb8;
	[tilespmem:$0x15C00] =	vst v63  }
0x4c: {  	_ =	swait.ge [sflag:s25], $0x4000  }
0x4d: {  	[sflag:s25] =	ssyncset.done $0x0  }
0x4e: {  	s2 =	sadd.s32 $0x400, s31;
	[sflag:s25] =	ssyncadd.s32 $0xFFFFC000  }
0x4f: {  	[tilespmem:s14], [sflag:$0x4] =	stream.indirect.gather [hbm4b:s1+s8], $0x80, s2, s8, $0xb8;
	[tilespmem:$0x15C00] =	vst v63  }
.Ltmp3:
0x50: {  	_ = 	snop;
	(pc) =	sbr.rel .LBB2_2-.Ltmp3, $4  }
0x51: {  	_ =	swait.ge [sflag:s26], $0x4000  }
0x52: {  	s30 =	sadd.s32 $0xA00, s30;
	[sflag:s26] =	ssyncset.done $0x0  }
0x53: {  	s29 =	sadd.s32 $0x2800, s29;
	s31 =	sadd.s32 $0x480, s31;
	[sflag:s26] =	ssyncadd.s32 $0xFFFFC000  }
0x54: {  	[tilespmem:s16], [sflag:$0x5] =	stream.indirect.gather [hbm4b:s1+s8], $0x80, s31, s8, $0xb8;
	[tilespmem:$0x15C00] =	vst v63  }
.LBB2_5:
0x55: {  	_ =	sfence.sel $0x180000  }
0x56: {  	[bflag:$0x0] =	sbarrier.arrive $0xFFFF  }
0x57: {  	_ =	strace $0x90000047  }
0x58: {  	[bflag:$0x2] =	sbarrier.arrive $0xFFFF  }
0x59: {  	p0 =	sne.s32 s0, $0x0;
	s0 =	rddreg [dreg:$0x3]  }
0x5a: {  	s0 =	sadd.s32 @!p0 $0x100000, s0  }
0x5b: {  	[sflag:s0] =	ssyncadd.tile.s32 @!p0 $0x1;
	_ =	shalt  }
.Lfunc_end2:
_tile_overlayer_lowered:
.L_overlay_start_2:
0x5c: {  	(tag) =	ssettag $0x2  }
0x5d: {  	s0 =	rddreg [dreg:$0x0];
	s2 =	stileid.u32  }
0x5e: {  	s1 =	rddreg [dreg:$0x1];
	p0 =	sne.s32 s2, $0x0  }
0x5f: {  	s3 =	rddreg [dreg:$0x2];
	[bflag:$0x3] =	sbarrier.arrive $0xFFFF;
	s2 =	simm.s32 @!p0 $0x1C0B  }
0x60: {  	[timem:s3], [sflag:s2] =	dma.local @!p0 [hbm:s0], s1  }
0x61: {  	s0 =	simm.s32 @!p0 $0xB  }
0x62: {  	_ =	swait.ge @!p0 [sflag:s0], s1  }
0x63: {  	s1 =	ssub.s32 @!p0 $0x0, s1;
	[sflag:s0] =	ssyncset.done @!p0 $0x0  }
0x64: {  	[sflag:s0] =	ssyncadd.s32 @!p0 s1  }
0x65: {  	[bflag:$0x3] =	sbarrier.arrive $0xFFFF  }
0x66: {  	_ =	shalt  }

</sc_bundles>
